<compile_context>
chip_gen: v7x
topology: tpu7x:2x2x1
jax: 0.10.2.dev20260603
libtpu: 0.0.44.dev20260713+nightly
codegen_flags: <defaults>
</compile_context>

<pallas_src>
import jax
import jax.numpy as jnp
from jax.experimental import pallas as pl
from jax.experimental.pallas import tpu as pltpu

_O_CLS, _O_REG, _O_DIR = 18, 42, 12
_OFF_CLS, _OFF_REG, _OFF_DIR = 0, 24, 72
_PACKED = 84
_H_BLK = 32


def _fused_heads_kernel(x_ref, wt_ref, bias_ref, cls_ref, reg_ref, dir_ref):
    acc = jax.lax.dot_general(
        wt_ref[:], x_ref[0].astype(jnp.bfloat16),
        (((1,), (0,)), ((), ())),
        preferred_element_type=jnp.float32,
    )
    acc = acc + bias_ref[:]
    cls_ref[0] = acc[_OFF_CLS:_OFF_CLS + _O_CLS]
    reg_ref[0] = acc[_OFF_REG:_OFF_REG + _O_REG]
    dir_ref[0] = acc[_OFF_DIR:_OFF_DIR + _O_DIR]


def kernel(x, W_cls, b_cls, W_reg, b_reg, W_dir, b_dir):
    B, C, H, W = x.shape

    wt = jnp.concatenate(
        [
            W_cls.T.astype(jnp.bfloat16),
            jnp.zeros((_OFF_REG - _O_CLS, C), dtype=jnp.bfloat16),
            W_reg.T.astype(jnp.bfloat16),
            jnp.zeros((_OFF_DIR - _OFF_REG - _O_REG, C), dtype=jnp.bfloat16),
            W_dir.T.astype(jnp.bfloat16),
        ],
        axis=0,
    )
    bias = jnp.concatenate(
        [
            b_cls,
            jnp.zeros((_OFF_REG - _O_CLS,), dtype=x.dtype),
            b_reg,
            jnp.zeros((_OFF_DIR - _OFF_REG - _O_REG,), dtype=x.dtype),
            b_dir,
        ]
    ).reshape(_PACKED, 1, 1)

    nh = pl.cdiv(H, _H_BLK)
    call = pl.pallas_call(
        _fused_heads_kernel,
        grid=(1, nh),
        in_specs=[
            pl.BlockSpec((1, C, _H_BLK, W), lambda b, h: (b, 0, h, 0)),
            pl.BlockSpec((_PACKED, C), lambda b, h: (0, 0)),
            pl.BlockSpec((_PACKED, 1, 1), lambda b, h: (0, 0, 0)),
        ],
        out_specs=[
            pl.BlockSpec((1, _O_CLS, _H_BLK, W), lambda b, h: (b, 0, h, 0)),
            pl.BlockSpec((1, _O_REG, _H_BLK, W), lambda b, h: (b, 0, h, 0)),
            pl.BlockSpec((1, _O_DIR, _H_BLK, W), lambda b, h: (b, 0, h, 0)),
        ],
        out_shape=[
            jax.ShapeDtypeStruct((1, _O_CLS, H, W), jnp.float32),
            jax.ShapeDtypeStruct((1, _O_REG, H, W), jnp.float32),
            jax.ShapeDtypeStruct((1, _O_DIR, H, W), jnp.float32),
        ],
        compiler_params=pltpu.CompilerParams(
            dimension_semantics=("arbitrary", "arbitrary"),
        ),
    )

    parts = [call(x[b:b + 1], wt, bias) for b in range(B)]
    cls = jnp.concatenate([p[0] for p in parts], axis=0)
    reg = jnp.concatenate([p[1] for p in parts], axis=0)
    dir_ = jnp.concatenate([p[2] for p in parts], axis=0)
    return (cls, reg, dir_)

# --- scband reference (transcript-rebuilt; emitter-appended) ---
"""Pipeline reference for scband-anchor3-dhead-61701500175350 (READ-ONLY COPY).

The authoritative reference and input builder live on the scoring server;
editing this copy changes nothing except your own understanding.
"""

import jax, jax.numpy as jnp
import numpy as np

NUM_CLASSES = 3
NUM_ANCHORS = 6  # len(sizes)=3 * len(rotations)=2
BOX_CODE_SIZE = 7
B, C, H, W = 4, 384, 248, 216


def setup_inputs(seed: int = 0) -> dict:
    key = jax.random.key(seed)
    ks = jax.random.split(key, 7)
    x = jax.random.normal(ks[0], (B, C, H, W), dtype=jnp.float32)
    W_cls = jax.random.normal(ks[1], (C, NUM_ANCHORS * NUM_CLASSES), dtype=jnp.float32) * 0.02
    b_cls = jnp.zeros((NUM_ANCHORS * NUM_CLASSES,), dtype=jnp.float32)
    W_reg = jax.random.normal(ks[2], (C, NUM_ANCHORS * BOX_CODE_SIZE), dtype=jnp.float32) * 0.02
    b_reg = jnp.zeros((NUM_ANCHORS * BOX_CODE_SIZE,), dtype=jnp.float32)
    W_dir = jax.random.normal(ks[3], (C, NUM_ANCHORS * 2), dtype=jnp.float32) * 0.02
    b_dir = jnp.zeros((NUM_ANCHORS * 2,), dtype=jnp.float32)
    return {"x": x, "W_cls": W_cls, "b_cls": b_cls, "W_reg": W_reg, "b_reg": b_reg, "W_dir": W_dir, "b_dir": b_dir}


def _conv1x1_channels_first(x, Wk, bk):
    # x: [B, C, H, W], Wk: [C, O] -> [B, O, H, W]  (1x1 conv, channels_first)
    y = jnp.einsum('bchw,co->bohw', x, Wk)
    return y + bk[None, :, None, None]


def reference(x, W_cls, b_cls, W_reg, b_reg, W_dir, b_dir):
    cls_score = _conv1x1_channels_first(x, W_cls, b_cls)
    bbox_pred = _conv1x1_channels_first(x, W_reg, b_reg)
    dir_cls_preds = _conv1x1_channels_first(x, W_dir, b_dir)
    return (cls_score, bbox_pred, dir_cls_preds)

if __name__ == "__main__":
    import jax
    _d = setup_inputs()
    print(jax.jit(kernel)(*tuple(_d.values())))

</pallas_src>

<mosaic_0001>
module attributes {stable_mosaic.version = 14 : i64} {
  func.func @_fused_heads_kernel(%arg0: i32, %arg1: i32, %arg2: memref<1x384x32x216xf32, #tpu.memory_space<vmem>>, %arg3: memref<84x384xbf16, #tpu.memory_space<vmem>>, %arg4: memref<84x1x1xf32, #tpu.memory_space<vmem>>, %arg5: memref<1x18x32x216xf32, #tpu.memory_space<vmem>>, %arg6: memref<1x42x32x216xf32, #tpu.memory_space<vmem>>, %arg7: memref<1x12x32x216xf32, #tpu.memory_space<vmem>>) attributes {dimension_semantics = [#tpu.dimension_semantics<arbitrary>, #tpu.dimension_semantics<arbitrary>], iteration_bounds = array<i64: 1, 8>, scalar_prefetch = 0 : i64, scratch_operands = 0 : i64, tpu.core_type = #tpu.core_type<tc>, window_params = [{transform_indices = @transform_0, window_bounds = array<i64: 1, 384, 32, 216>}, {pipeline_mode = #tpu.pipeline_mode<synchronous>, transform_indices = @transform_1, window_bounds = array<i64: 84, 384>}, {pipeline_mode = #tpu.pipeline_mode<synchronous>, transform_indices = @transform_2, window_bounds = array<i64: 84, 1, 1>}, {transform_indices = @transform_3, window_bounds = array<i64: 1, 18, 32, 216>}, {transform_indices = @transform_4, window_bounds = array<i64: 1, 42, 32, 216>}, {transform_indices = @transform_5, window_bounds = array<i64: 1, 12, 32, 216>}]} {
    %get3A = arith.constant 0 : index
    %get3A_0 = arith.constant 0 : index
    %get3A_1 = vector.load %arg3[%get3A, %get3A_0] : memref<84x384xbf16, #tpu.memory_space<vmem>>, vector<84x384xbf16>
    %get3A_2 = arith.constant 0 : index
    %get3A_3 = arith.constant 0 : index
    %get3A_4 = arith.constant 0 : index
    %get3A_5 = arith.constant 0 : index
    %get3A_6 = vector.load %arg2[%get3A_2, %get3A_3, %get3A_4, %get3A_5] : memref<1x384x32x216xf32, #tpu.memory_space<vmem>>, vector<1x384x32x216xf32>
    %get3A_7 = vector.shape_cast %get3A_6 : vector<1x384x32x216xf32> to vector<384x32x216xf32>
    %convert_element_type3A = arith.truncf %get3A_7 : vector<384x32x216xf32> to vector<384x32x216xbf16>
    %dot_general3A = arith.constant dense<0.000000e+00> : vector<84x32x216xf32>
    %dot_general3A_8 = tpu.matmul %get3A_1, %convert_element_type3A, %dot_general3A {dimension_numbers = #tpu.dot_dimension_numbers<[1], [0], [0], [1, 2], [0, 0, 1, 1, 1, 2], [], []>, transpose_lhs_hint = false} : vector<84x384xbf16>, vector<384x32x216xbf16>, vector<84x32x216xf32> -> vector<84x32x216xf32>
    %get3A_9 = arith.constant 0 : index
    %get3A_10 = arith.constant 0 : index
    %get3A_11 = arith.constant 0 : index
    %get3A_12 = vector.load %arg4[%get3A_9, %get3A_10, %get3A_11] : memref<84x1x1xf32, #tpu.memory_space<vmem>>, vector<84x1x1xf32>
    %add3A = vector.broadcast %get3A_12 : vector<84x1x1xf32> to vector<84x32x216xf32>
    %add3A_13 = arith.addf %dot_general3A_8, %add3A : vector<84x32x216xf32>
    %slice3A = vector.extract_strided_slice %add3A_13 {offsets = [0, 0, 0], sizes = [18, 32, 216], strides = [1, 1, 1]} : vector<84x32x216xf32> to vector<18x32x216xf32>
    %swap3A = arith.constant 0 : index
    %swap3A_14 = arith.constant 0 : index
    %swap3A_15 = arith.constant 0 : index
    %swap3A_16 = arith.constant 0 : index
    %swap3A_17 = vector.load %arg5[%swap3A, %swap3A_14, %swap3A_15, %swap3A_16] : memref<1x18x32x216xf32, #tpu.memory_space<vmem>>, vector<1x18x32x216xf32>
    %swap3A_18 = vector.shape_cast %swap3A_17 : vector<1x18x32x216xf32> to vector<18x32x216xf32>
    %swap3A_19 = vector.shape_cast %slice3A : vector<18x32x216xf32> to vector<1x18x32x216xf32>
    tpu.vector_store %arg5[%swap3A, %swap3A_14, %swap3A_15, %swap3A_16], %swap3A_19 {strides = array<i32>} : memref<1x18x32x216xf32, #tpu.memory_space<vmem>>, vector<1x18x32x216xf32>,
    %slice3A_20 = vector.extract_strided_slice %add3A_13 {offsets = [24, 0, 0], sizes = [42, 32, 216], strides = [1, 1, 1]} : vector<84x32x216xf32> to vector<42x32x216xf32>
    %swap3A_21 = arith.constant 0 : index
    %swap3A_22 = arith.constant 0 : index
    %swap3A_23 = arith.constant 0 : index
    %swap3A_24 = arith.constant 0 : index
    %swap3A_25 = vector.load %arg6[%swap3A_21, %swap3A_22, %swap3A_23, %swap3A_24] : memref<1x42x32x216xf32, #tpu.memory_space<vmem>>, vector<1x42x32x216xf32>
    %swap3A_26 = vector.shape_cast %swap3A_25 : vector<1x42x32x216xf32> to vector<42x32x216xf32>
    %swap3A_27 = vector.shape_cast %slice3A_20 : vector<42x32x216xf32> to vector<1x42x32x216xf32>
    tpu.vector_store %arg6[%swap3A_21, %swap3A_22, %swap3A_23, %swap3A_24], %swap3A_27 {strides = array<i32>} : memref<1x42x32x216xf32, #tpu.memory_space<vmem>>, vector<1x42x32x216xf32>,
    %slice3A_28 = vector.extract_strided_slice %add3A_13 {offsets = [72, 0, 0], sizes = [12, 32, 216], strides = [1, 1, 1]} : vector<84x32x216xf32> to vector<12x32x216xf32>
    %swap3A_29 = arith.constant 0 : index
    %swap3A_30 = arith.constant 0 : index
    %swap3A_31 = arith.constant 0 : index
    %swap3A_32 = arith.constant 0 : index
    %swap3A_33 = vector.load %arg7[%swap3A_29, %swap3A_30, %swap3A_31, %swap3A_32] : memref<1x12x32x216xf32, #tpu.memory_space<vmem>>, vector<1x12x32x216xf32>
    %swap3A_34 = vector.shape_cast %swap3A_33 : vector<1x12x32x216xf32> to vector<12x32x216xf32>
    %swap3A_35 = vector.shape_cast %slice3A_28 : vector<12x32x216xf32> to vector<1x12x32x216xf32>
    tpu.vector_store %arg7[%swap3A_29, %swap3A_30, %swap3A_31, %swap3A_32], %swap3A_35 {strides = array<i32>} : memref<1x12x32x216xf32, #tpu.memory_space<vmem>>, vector<1x12x32x216xf32>,
    return
  }
  func.func @transform_0(%arg0: i32, %arg1: i32) -> (i32, i32, i32, i32) {
    %c0_i32 = arith.constant 0 : i32
    %c0_i32_0 = arith.constant 0 : i32
    %c0_i32_1 = arith.constant 0 : i32
    return %arg0, %c0_i32, %arg1, %c0_i32_0 : i32, i32, i32, i32
  }
  func.func @transform_1(%arg0: i32, %arg1: i32) -> (i32, i32) {
    %c0_i32 = arith.constant 0 : i32
    %c0_i32_0 = arith.constant 0 : i32
    %c0_i32_1 = arith.constant 0 : i32
    return %c0_i32, %c0_i32_0 : i32, i32
  }
  func.func @transform_2(%arg0: i32, %arg1: i32) -> (i32, i32, i32) {
    %c0_i32 = arith.constant 0 : i32
    %c0_i32_0 = arith.constant 0 : i32
    %c0_i32_1 = arith.constant 0 : i32
    %c0_i32_2 = arith.constant 0 : i32
    return %c0_i32, %c0_i32_0, %c0_i32_1 : i32, i32, i32
  }
  func.func @transform_3(%arg0: i32, %arg1: i32) -> (i32, i32, i32, i32) {
    %c0_i32 = arith.constant 0 : i32
    %c0_i32_0 = arith.constant 0 : i32
    %c0_i32_1 = arith.constant 0 : i32
    return %arg0, %c0_i32, %arg1, %c0_i32_0 : i32, i32, i32, i32
  }
  func.func @transform_4(%arg0: i32, %arg1: i32) -> (i32, i32, i32, i32) {
    %c0_i32 = arith.constant 0 : i32
    %c0_i32_0 = arith.constant 0 : i32
    %c0_i32_1 = arith.constant 0 : i32
    return %arg0, %c0_i32, %arg1, %c0_i32_0 : i32, i32, i32, i32
  }
  func.func @transform_5(%arg0: i32, %arg1: i32) -> (i32, i32, i32, i32) {
    %c0_i32 = arith.constant 0 : i32
    %c0_i32_0 = arith.constant 0 : i32
    %c0_i32_1 = arith.constant 0 : i32
    return %arg0, %c0_i32, %arg1, %c0_i32_0 : i32, i32, i32, i32
  }
}

</mosaic_0001>

<sc_bundles>
// kernel: sparse-core-data-format-call.cloned.1.call-start
scs
called_computation_lowered:
.L_overlay_start_0:
0x0: {  	s2 =	sld [smem:$0x3FD9]  }
0x1: {  	s3 =	sld [smem:$0x3FFE];
	_ =	sdelay $0x1  }
0x2: {  	s1 =	srdreg.scid  }
0x3: {  	s0 =	sand.u32 $0x1, s1  }
0x4: {  	s15 =	sshll.u32 s0, $0xA;
	s2 =	sadd.s32 s3, s2  }
0x5: {  	s2 =	sadd.s32 s2, s15  }
0x6: {  	[smem:$0x3FC1] =	sst s2  }
0x7: {  	_ = 	snop  }
0x8: {  	s2 =	sld [smem:$0x3FD0];
	_ =	sdelay $0x2  }
0x9: {  	s16 =	simm.s32 $0xA;
	s4 =	simm.s32 $0x10  }
0xa: {  	[smem:s4], [sflag:s16] =	dma.local [hbm:s2], $0x1  }
0xb: {  	_ =	swait.eq [sflag:s16], $0x1  }
0xc: {  	[sflag:s16] =	ssyncset.done $0x0  }
0xd: {  	[sflag:s16] =	ssyncadd.s32 $0xFFFFFFFF  }
0xe: {  	s17 =	sld [smem:$0x11];
	(tm) =	ssettm $0x1  }
0xf: {  	s18 =	sld [smem:$0x3FFB];
	_ =	sdelay $0x3  }
0x10: {  	_ =	strace s18  }
0x11: {  	s3 =	sld [smem:$0x3FFC];
	_ =	sdelay $0x3  }
0x12: {  	_ =	strace s3  }
0x13: {  	s3 =	sld [smem:$0x3FFD];
	_ =	sdelay $0x3  }
0x14: {  	_ =	strace s3  }
0x15: {  	_ =	strace $0x8FFFFFFF  }
0x16: {  	s19 =	sld [smem:$0x3FDB];
	_ =	sdelay $0x1  }
0x17: {  	s20 =	simm.s32 $_scs_section_size  }
0x18: {  	s5 =	simm.s32 $_size__tile_overlayer_lowered;
	s6 =	simm.s32 $_tile_overlayer_lowered  }
0x19: {  	s23 =	simm.s32 $0x1BFF;
	s22 =	sshll.u32 s6, $0x1;
	s3 =	sadd.s32 s20, s19  }
0x1a: {  	s7 =	simm.s32 $0x0;
	s21 =	sshll.u32 s5, $0x1;
	s5 =	sadd.s32 s22, s3  }
0x1b: {  	[timem:s7], [sflag:s23] =	dma.local [hbm:s5], s21  }
0x1c: {  	_ =	swait.ge [sflag:s23], s21  }
0x1d: {  	s4 =	ssub.s32 $0x0, s21;
	[sflag:s23] =	ssyncset.done $0x0  }
0x1e: {  	[sflag:s23] =	ssyncadd.s32 s4;
	_ =	sdelay $0x1  }
0x1f: {  	s24 =	simm.s32 $0x1B8B  }
0x20: {  	_ =	swait.ge [sflag:s24], $0x1  }
0x21: {  	[sflag:s24] =	ssyncset.done $0x0  }
0x22: {  	s26 =	simm.s32 $0x1B8E;
	s25 =	sld [smem:$0x3FFE];
	[sflag:s24] =	ssyncadd.s32 $0xFFFFFFFF  }
0x23: {  	s27 =	simm.s32 $execute0_lowered;
	[smem:$0x3FD2] =	sst s26  }
0x24: {  	s5 =	sshll.u32 s27, $0x1;
	_ =	strace $0x80000046;
	[dreg:$0x1] =	wrdreg $0xFFFFFFFF  }
0x25: {  	s28 =	simm.s32 $_size_execute0_lowered;
	s3 =	sadd.s32 s3, s5;
	[dreg:$0x0] =	wrdreg $0x0  }
0x26: {  	s5 =	sshll.u32 s28, $0x1;
	[dreg:$0x2] =	wrdreg s3  }
0x27: {  	[dreg:$0x3] =	wrdreg s5  }
0x28: {  	[dreg:$0x4] =	wrdreg $0xC0  }
0x29: {  	_ =	task [dreg:s7], $0x5FFFF  }
0x2a: {  	[dreg:$0x1] =	wrdreg $0xFFFFFFFF  }
0x2b: {  	[dreg:$0x0] =	wrdreg $0x60  }
0x2c: {  	[dreg:$0x2] =	wrdreg s25  }
0x2d: {  	[dreg:$0x3] =	wrdreg s17  }
0x2e: {  	[dreg:$0x4] =	wrdreg $0x9  }
0x2f: {  	_ =	task.clear_ibuf [dreg:s7], $0x5FFFF;
	_ =	strace $0x90000046  }
0x30: {  	s29 =	simm.s32 $0x9;
	_ =	strace $0x80000048  }
0x31: {  	_ =	swait.ge [sflag:s29], $0x1  }
0x32: {  	[sflag:s29] =	ssyncadd.s32 $0xFFFFFFFF  }
0x33: {  	_ =	strace $0x90000048  }
0x34: {  	_ =	sfence  }
0x35: {  	s30 =	sld [smem:$0x0];
	_ =	sdelay $0x2  }
0x36: {  	s31 =	sshll.u32 s1, $0xD;
	s1 =	sshrl.u32 s1, $0x2  }
0x37: {  	s3 =	sand.u32 $0x4000, s31;
	s1 =	sadd.s32 s1, s30  }
0x38: {  	s0 =	sor.u32 s3, s0;
	s1 =	sshll.u32 s1, $0x11  }
0x39: {  	s0 =	sor.u32 s1, s0  }
0x3a: {  	s0 =	sadd.s32 $0x8F2B, s0  }
0x3b: {  	[sflag:s0] =	ssyncadd.remote.s32 $0x1  }
0x3c: {  	_ =	sfence.sel $0xFFFF  }
0x3d: {  	[dreg:$0x0] =	wrdreg $0xFFFFFFFF;
	(pc) =	sbr.abs _section_cstart, $3  }
0x3e: {  	[dreg:$0x1] =	wrdreg $0xFFFFFFFF  }
0x3f: {  	_ =	task.clear_ibuf [dreg:s7], $0x2FFFF;
	_ =	strace $0x9FFFFFFF  }
0x40: {  	(tm) =	ssettm $0x7FFFFFFF  }
0x41: {  	_ =	shalt  }
tec
execute0_lowered:
.L_overlay_start_1:
0x0: {  	(tag) =	ssettag $0x1  }
0x1: {  	s0 =	rddreg [dreg:$0x0];
	s1 =	srdreg.scid;
	_ =	strace $0x80000047  }
0x2: {  	s2 =	stileid.u32;
	s28 =	simm.s32 $0x1;
	s29 =	simm.s32 $0x2  }
0x3: {  	s20 =	simm.s32 $0x0;
	s21 =	simm.s32 $0x0;
	s22 =	simm.s32 $0x0  }
0x4: {  	s14 =	simm.s32 $0x0;
	s23 =	simm.s32 $0x0;
	s15 =	simm.s32 $0x0  }
0x5: {  	s16 =	simm.s32 $0x0;
	s19 =	simm.s32 $0x0;
	s1 =	sshll.u32 s1, $0x7  }
0x6: {  	s6 =	sand.u32 $0x3, s2;
	s27 =	sshrl.u32 s2, $0x2;
	s2 =	sshll.u32 s2, $0x4  }
0x7: {  	[sflag:s28] =	ssyncpa.u1 $0x0;
	s5 =	sand.u32 $0x80, s1;
	[dreg:$0x4] =	wrdreg s6  }
0x8: {  	s7 =	sand.u32 $0x1, s27;
	s9 =	sand.u32 $0x80, s2;
	[dreg:$0x3] =	wrdreg s5  }
0x9: {  	s0 =	sadd.s32 s5, s0;
	s30 =	ssub.s32 $0x2A, s7;
	[dreg:$0x5] =	wrdreg s7  }
0xa: {  	s3 =	smax.u32 s9, $0x78;
	s4 =	sshll.u32 s9, $0x5;
	[dreg:$0x6] =	wrdreg s9  }
.Ltmp0:
0xb: {  	s31 =	sshrl.u32 s30, $0x1;
	s3 =	sshll.u32 s3, $0x7;
	(pc) =	sbr.rel .LBB1_1-.Ltmp0, $4  }
0xc: {  	s2 =	sand.u32 $0x1, s30;
	s0 =	sadd.s32 s4, s0;
	s10 =	sxor.u32 $0x7C00, s3  }
0xd: {  	s8 =	sadd.s32 s2, s31;
	s11 =	sadd.s32 $0x9D000, s0;
	[dreg:$0x7] =	wrdreg s10  }
0xe: {  	[sflag:s29] =	ssyncpa.u1 $0x0;
	s12 =	sadd.s32 $0x1, s8;
	[dreg:$0x8] =	wrdreg s11  }
0xf: {  	s18 =	smov.u32 s6;
	s17 =	smov.u32 s7;
	[dreg:$0x9] =	wrdreg s12  }
.LBB1_11:
0x10: {  	p0 =	sgt.s32 s14, $0x58  }
0x11: {  	s0 =	smov.u32 s14;
	s1 =	smul.u32 $0x46E00, s16;
	s3 =	rddreg [dreg:$0x1]  }
0x12: {  	s2 =	smul.u32 $0x1B00, s15;
	s29 =	sshll.u32 s14, $0x5;
	s5 =	rddreg [dreg:$0x3]  }
0x13: {  	s30 =	sor.u32 $0x8000, s28;
	s6 =	rddreg [dreg:$0x4];
	s0 =	simm.s32 @!p0 $0x58  }
0x14: {  	s31 =	simm.s32 $0x400;
	s7 =	rddreg [dreg:$0x5];
	s0 =	sshll.u32 s0, $0x7  }
0x15: {  	s9 =	rddreg [dreg:$0x6];
	s1 =	sadd.s32 s3, s1;
	s0 =	ssub.s32 $0x6C00, s0  }
0x16: {  	s10 =	rddreg [dreg:$0x7];
	s1 =	sadd.s32 s2, s1;
	s0 =	smul.u32 s24, s0  }
0x17: {  	s4 =	simm.s32 $0x800;
	s11 =	rddreg [dreg:$0x8];
	s1 =	sadd.s32 s23, s1  }
0x18: {  	s12 =	rddreg [dreg:$0x9];
	s1 =	sadd.s32 s29, s1;
	s0 =	sand.u32 $0x3FFFFF80, s0  }
0x19: {  	[hbm4b:s1+s31] =	stream.strided.scatter [tilespmem:s30], [sflag:$0x2], s0, s4, s31, $0x20;
	[tilespmem:$0x10100] =	vst v63  }
.LBB1_12:
0x1a: {  	p0 =	slt.u32 s19, $0x2;
	s1 =	smov.u32 s22;
	s2 =	smov.u32 s21  }
0x1b: {  	p1 =	sgt.s32 @!p0 s22, $0x3;
	s0 =	sshra.s32 @!p0 s22, $0x1F;
	p2 =	sgt.s32 @!p0 s21, $0x29  }
0x1c: {  	p1 =	por !p1, p0;
	s0 =	sand.u32 @!p0 s0, s22;
	p2 =	por !p2, p0  }
0x1d: {  	s1 =	simm.s32 @p1 $0x3;
	s2 =	simm.s32 @p2 $0x29;
	p1 =	sgt.s32 @!p0 s20, $0x58  }
0x1e: {  	s0 =	ssub.s32 @!p0 s1, s0;
	s1 =	sshra.s32 @!p0 s21, $0x1F;
	p1 =	por !p1, p0  }
0x1f: {  	s1 =	sand.u32 @!p0 s1, s21;
	s3 =	sadd.s32 @!p0 $0xFFFFFFFD, s0;
	s20 =	simm.s32 @p1 $0x58  }
0x20: {  	s0 =	ssub.s32 @!p0 $0x4, s0;
	p1 =	sgt.s32 @!p0 s3, $0x0;
	s1 =	ssub.s32 @!p0 s2, s1  }
0x21: {  	s3 =	sshll.u32 @!p0 s20, $0x7;
	p1 =	por !p1, p0;
	s2 =	sadd.s32 @!p0 $0xFFFFFFD7, s1  }
0x22: {  	s0 =	simm.s32 @!p1 $0x0;
	p1 =	sgt.s32 @!p0 s2, $0x0;
	s2 =	ssub.s32 @!p0 $0x6C00, s3  }
0x23: {  	s1 =	ssub.s32 @!p0 $0x2A, s1;
	p1 =	por !p1, p0;
	s0 =	smul.u32 @!p0 s0, s2  }
0x24: {  	s1 =	simm.s32 @!p1 $0x0  }
0x25: {  	s0 =	smul.u32 @!p0 s1, s0;
	s1 =	sadd.s32 $0x2, s17  }
0x26: {  	s4 =	smov.u32 s18;
	s3 =	sadd.s32 $0x4, s18;
	p1 =	sgt.s32 s1, $0x29  }
0x27: {  	s31 =	sadd.s32 $0x1, s19;
	s4 =	smov.u32 @p1 s3  }
0x28: {  	s23 =	smov.u32 s9;
	s1 =	smov.u32 @p1 s7;
	p1 =	sgt.s32 s4, $0x3  }
0x29: {  	s22 =	smov.u32 s16;
	s4 =	smov.u32 @p1 s6;
	p1 =	sne.s32 s19, s12  }
.Ltmp1:
0x2a: {  	s16 =	smov.u32 s18;
	s21 =	smov.u32 s15;
	(pc) =	sbr.rel @!p1 .LBB1_13-.Ltmp1, $4  }
0x2b: {  	s15 =	smov.u32 s17;
	s2 =	simm.s32 @!p0 $0x2;
	s0 =	sand.u32 @!p0 $0x3FFFFF80, s0  }
0x2c: {  	s20 =	smov.u32 s14;
	s14 =	smov.u32 s5;
	_ =	swait.ge @!p0 [sflag:s2], s0  }
0x2d: {  	s0 =	ssub.s32 @!p0 $0x0, s0;
	s17 =	smov.u32 s1;
	[sflag:s2] =	ssyncset.done @!p0 $0x0  }
0x2e: {  	s19 =	smov.u32 s31;
	[sflag:s2] =	ssyncadd.s32 @!p0 s0;
	s18 =	smov.u32 s4  }
.LBB1_1:
0x2f: {  	p0 =	sge.u32 s19, s8  }
0x30: {  	s0 =	smov.u32 s18;
	p1 =	sgt.s32 @!p0 s18, $0x3  }
0x31: {  	s1 =	sshra.s32 @!p0 s18, $0x1F;
	s2 =	sshra.s32 @!p0 s17, $0x1F;
	p1 =	por !p1, p0  }
0x32: {  	s1 =	sand.u32 @!p0 s1, s18;
	s0 =	simm.s32 @p1 $0x3;
	p1 =	sgt.s32 @!p0 s17, $0x29  }
0x33: {  	s0 =	ssub.s32 @!p0 s0, s1;
	p1 =	por !p1, p0;
	s1 =	smov.u32 s17  }
0x34: {  	s2 =	sand.u32 @!p0 s2, s17;
	s3 =	sadd.s32 @!p0 $0xFFFFFFFD, s0;
	s1 =	simm.s32 @p1 $0x29  }
0x35: {  	p1 =	sgt.s32 @!p0 s3, $0x0;
	s1 =	ssub.s32 @!p0 s1, s2  }
0x36: {  	s0 =	ssub.s32 @!p0 $0x4, s0;
	p1 =	por !p1, p0;
	s2 =	sadd.s32 @!p0 $0xFFFFFFD7, s1  }
0x37: {  	s0 =	simm.s32 @!p1 $0x0;
	p1 =	sgt.s32 @!p0 s2, $0x0;
	s2 =	smul.u32 @!p0 $0x51600, s18  }
0x38: {  	s1 =	ssub.s32 @!p0 $0x2A, s1;
	p1 =	por !p1, p0;
	s0 =	smul.u32 @!p0 s0, s10  }
0x39: {  	s31 =	sadd.s32 $0xFFFFFFFF, s19;
	s3 =	smul.u32 @!p0 $0x1F00, s17;
	s1 =	simm.s32 @!p1 $0x0  }
0x3a: {  	s2 =	sadd.s32 @!p0 s2, s11;
	s0 =	smul.u32 @!p0 s1, s0;
	s1 =	sxor.u32 @!p0 $0xFFFFFFFF, s19  }
0x3b: {  	s4 =	simm.s32 @!p0 $0x800;
	s2 =	sadd.s32 @!p0 s3, s2;
	s1 =	sshll.u32 @!p0 s1, $0xE  }
0x3c: {  	s3 =	simm.s32 @!p0 $0x400;
	s1 =	sand.u32 @!p0 $0x4000, s1;
	s0 =	sand.u32 @!p0 $0x3FFFFC00, s0  }
0x3d: {  	[tilespmem:s1], [sflag:$0x1] =	stream.strided.gather @!p0 [hbm4b:s2+s3], s0, s4, s3, $0x38;
	[tilespmem:$0x10100] =	vst v63  }
0x3e: {  	p0 =	sge.u32 s31, s8  }
.Ltmp2:
0x3f: {  	_ = 	snop;
	(pc) =	sbr.rel @p0 .LBB1_12-.Ltmp2, $1  }
0x40: {  	_ =	sdelay $0x3  }
0x41: {  	p0 =	sgt.s32 s16, $0x3  }
0x42: {  	s0 =	smov.u32 s16;
	s1 =	sshra.s32 s16, $0x1F;
	s2 =	smov.u32 s15  }
0x43: {  	s3 =	sshra.s32 s15, $0x1F;
	s0 =	simm.s32 @!p0 $0x3;
	p0 =	sgt.s32 s15, $0x29  }
0x44: {  	s1 =	sand.u32 s1, s16;
	s25 =	sand.u32 s3, s15;
	s2 =	simm.s32 @!p0 $0x29  }
0x45: {  	s0 =	ssub.s32 s0, s1;
	s1 =	ssub.s32 s2, s25  }
0x46: {  	s26 =	sadd.s32 $0xFFFFFFFD, s0;
	s0 =	ssub.s32 $0x4, s0;
	s2 =	sadd.s32 $0xFFFFFFD7, s1  }
0x47: {  	p0 =	sgt.s32 s26, $0x0;
	s1 =	ssub.s32 $0x2A, s1;
	p1 =	sgt.s32 s2, $0x0  }
0x48: {  	s0 =	simm.s32 @p0 $0x0;
	p0 =	sgt.s32 s23, $0x78;
	s1 =	simm.s32 @p1 $0x0  }
0x49: {  	s2 =	smov.u32 s23;
	s24 =	smul.u32 s0, s1;
	s0 =	sadd.s32 $0x1, s16  }
0x4a: {  	p2 =	slt.s32 s14, $0x58;
	s2 =	simm.s32 @!p0 $0x78;
	p0 =	slt.s32 s0, $0x4  }
0x4b: {  	s29 =	sshll.u32 s2, $0x7;
	s2 =	sadd.s32 $0x1, s15;
	s0 =	simm.s32 @!p0 $0x4  }
0x4c: {  	s1 =	ssub.s32 $0x7C00, s29;
	p0 =	slt.s32 s2, $0x2A;
	s25 =	ssub.s32 s0, s16  }
0x4d: {  	s2 =	simm.s32 @!p0 $0x2A;
	p0 =	slt.s32 s23, $0x78;
	s0 =	smov.u32 s23  }
0x4e: {  	s26 =	ssub.s32 s2, s15;
	s0 =	simm.s32 @!p0 $0x78;
	p0 =	slt.s32 s25, $0x1  }
0x4f: {  	s1 =	smul.u32 s24, s1;
	s0 =	ssub.s32 s0, s23;
	p1 =	slt.s32 @!p0 s26, $0x1  }
0x50: {  	s27 =	sadd.s32 $0x80, s0;
	s0 =	smov.u32 s14;
	p1 =	por p0, p1  }
0x51: {  	s0 =	simm.s32 @!p2 $0x58;
	p2 =	seq.s32 @!p1 s27, $0x0  }
0x52: {  	s30 =	sand.u32 $0x3FFFFF80, s1;
	s1 =	ssub.s32 s0, s14;
	p1 =	por p1, p2  }
0x53: {  	p2 =	slt.s32 @!p1 s1, $0xFFFFFF88  }
0x54: {  	p1 =	por p1, p2  }
.Ltmp3:
0x55: {  	_ = 	snop;
	(pc) =	sbr.rel @p1 .LBB1_11-.Ltmp3, $4  }
0x56: {  	s31 =	simm.s32 $0x1  }
0x57: {  	_ =	swait.ge [sflag:s31], s30  }
0x58: {  	s2 =	ssub.s32 $0x0, s30;
	[sflag:s31] =	ssyncset.done $0x0;
	s0 =	sand.u32 $0x1, s19  }
0x59: {  	[sflag:s31] =	ssyncadd.s32 s2;
	s28 =	smul.u32 $0x4080, s0  }
0x5a: {  	s1 =	sadd.s32 $0x88, s1;
	s30 =	sshll.u32 @!p0 s0, $0xE  }
0x5b: {  	s0 =	simm.s32 $0x0;
	s29 =	sand.u32 $0xFFFFFFF0, s1;
	s31 =	sor.u32 @!p0 $0x8000, s28  }
.LBB1_4:
0x5c: {  	s1 =	simm.s32 $0x0  }
.LBB1_5:
0x5d: {  	s2 =	sadd.s32 s0, s1  }
0x5e: {  	s3 =	smul.u32 $0x10200, s2  }
0x5f: {  	s2 =	sshll.u32 s2, $0x10  }
0x60: {  	s2 =	sshra.s32 s2, $0x2;
	s3 =	sshra.s32 s3, $0x2  }
0x61: {  	s13 =	simm.s32 $0x0;
	s2 =	sadd.s32 s2, s30;
	s12 =	sadd.s32 s3, s31  }
.LBB1_6:
0x62: {  	s7 =	sshll.u32 s13, $0x7;
	s3 =	sshrl.u32 s13, $0x4  }
0x63: {  	s9 =	sand.u32 $0x7F, s13;
	s10 =	simm.s32 $0x0;
	s4 =	sand.u32 $0x380, s7  }
0x64: {  	s11 =	simm.s32 $0x0;
	s9 =	sadd.s32 s9, s12;
	s4 =	sadd.s32 s4, s2  }
.LBB1_7:
0x65: {  	s5 =	sand.u32 $0x3C00, s10  }
0x66: {  	s5 =	sadd.s32 s7, s5  }
0x67: {  	s5 =	sand.u32 $0x3C00, s5  }
0x68: {  	s6 =	sand.u32 $0x70, s11;
	s5 =	sadd.s32 s5, s4  }
0x69: {  	s5 =	sadd.s32 s6, s5;
	s6 =	sadd.s32 s11, s3  }
0x6a: {  	s11 =	sadd.s32 $0x10, s11;
	s6 =	sand.u32 $0x78, s6  }
0x6b: {  	v0 =	vld [tilespmem:s5+$0x0];
	p0 =	slt.u32 s11, s29;
	s5 =	smul.u32 $0x204, s6  }
.Ltmp4:
0x6c: {  	_ = 	snop;
	(pc) =	sbr.rel @p0 .LBB1_7-.Ltmp4, $4  }
0x6d: {  	_ = 	snop  }
0x6e: {  	s5 =	sshrl.u32 s5, $0x2  }
0x6f: {  	s5 =	sadd.s32 s5, s9  }
0x70: {  	s10 =	sadd.s32 $0x80, s10;
	[tilespmem:s5+$0x0 ss:$0x81] =	vst.msk $0xffff, v0  }
0x71: {  	s13 =	sadd.s32 $0x1, s13  }
0x72: {  	p0 =	sne.s32 s13, s27  }
.Ltmp5:
0x73: {  	_ = 	snop;
	(pc) =	sbr.rel @p0 .LBB1_6-.Ltmp5, $1  }
0x74: {  	_ =	sdelay $0x3  }
0x75: {  	s1 =	sadd.s32 $0x1, s1  }
0x76: {  	p0 =	sne.s32 s1, s26  }
.Ltmp6:
0x77: {  	_ = 	snop;
	(pc) =	sbr.rel @p0 .LBB1_5-.Ltmp6, $1  }
0x78: {  	_ =	sdelay $0x3  }
0x79: {  	s0 =	sadd.s32 $0x1, s0  }
0x7a: {  	p0 =	sne.s32 s0, s25  }
.Ltmp7:
0x7b: {  	_ = 	snop;
	(pc) =	sbr.rel @p0 .LBB1_4-.Ltmp7, $4  }
.Ltmp8:
0x7c: {  	_ = 	snop;
	(pc) =	sbr.rel @!p0 .LBB1_11-.Ltmp8, $4  }
0x7d: {  	_ = 	snop  }
0x7e: {  	_ = 	snop  }
0x7f: {  	_ = 	snop  }
0x80: {  	_ = 	snop  }
.LBB1_13:
0x81: {  	_ =	sfence.sel $0x180000  }
0x82: {  	s0 =	simm.s32 $0x1;
	[bflag:$0x0] =	sbarrier.arrive $0xFFFF  }
0x83: {  	s30 =	simm.s32 $0x2;
	[sflag:s0] =	ssyncpa.u1 $0x1  }
0x84: {  	[sflag:s30] =	ssyncpa.u1 $0x1  }
0x85: {  	_ =	strace $0x90000047  }
0x86: {  	s31 =	stileid.u32;
	[bflag:$0x2] =	sbarrier.arrive $0xFFFF  }
0x87: {  	p0 =	sne.s32 s31, $0x0;
	s0 =	rddreg [dreg:$0x2]  }
0x88: {  	s0 =	sadd.s32 @!p0 $0x100000, s0  }
0x89: {  	[sflag:s0] =	ssyncadd.tile.s32 @!p0 $0x1;
	_ =	shalt  }
.Lfunc_end1:
_tile_overlayer_lowered:
.L_overlay_start_2:
0x8a: {  	(tag) =	ssettag $0x2  }
0x8b: {  	s0 =	rddreg [dreg:$0x0];
	s2 =	stileid.u32  }
0x8c: {  	s1 =	rddreg [dreg:$0x1];
	p0 =	sne.s32 s2, $0x0  }
0x8d: {  	s3 =	rddreg [dreg:$0x2];
	[bflag:$0x3] =	sbarrier.arrive $0xFFFF;
	s2 =	simm.s32 @!p0 $0x1C01  }
0x8e: {  	[timem:s3], [sflag:s2] =	dma.local @!p0 [hbm:s0], s1  }
0x8f: {  	s0 =	simm.s32 @!p0 $0x1  }
0x90: {  	_ =	swait.ge @!p0 [sflag:s0], s1  }
0x91: {  	s1 =	ssub.s32 @!p0 $0x0, s1;
	[sflag:s0] =	ssyncset.done @!p0 $0x0  }
0x92: {  	[sflag:s0] =	ssyncadd.s32 @!p0 s1  }
0x93: {  	[bflag:$0x3] =	sbarrier.arrive $0xFFFF  }
0x94: {  	_ =	shalt  }

</sc_bundles>
